<compile_context>
chip_gen: v7x
topology: tpu7x:2x2x1
jax: 0.10.2.dev20260603
libtpu: 0.0.44.dev20260713+nightly
codegen_flags: <defaults>
</compile_context>

<pallas_src>
import functools
import math

import jax
import jax.numpy as jnp
from jax import lax
from jax.experimental import pallas as pl
from jax.experimental.pallas import tpu as pltpu
from jax.experimental.pallas import tpu_sc as plsc

N = 100000
K = 16
E = N * K
TAU = 2.0
GAMMA = -0.1
ZETA = 1.1
EPS = 1e-06
_C = math.log((0.0 - GAMMA) / (ZETA - 0.0) + EPS)

BCE = 160000
GJ = E // BCE

NW = 32
PER_W = E // NW
CHUNK = 2000
REPS = PER_W // CHUNK


def _edges_kernel(logit_ref, edges_ref, pen_ref, s0_ref):
    j = pl.program_id(0)

    @pl.when(j == 0)
    def _():
        c = jax.lax.broadcasted_iota(jnp.int32, (2, BCE), 1)
        row = jax.lax.broadcasted_iota(jnp.int32, (2, BCE), 0)
        s0_ref[...] = (c >> 4) + jnp.where(row == 0, 0, (c & (K - 1)) + 1)
        pen_ref[0] = jax.nn.sigmoid(logit_ref[0] - TAU * _C)

    v = s0_ref[...] + j * (BCE // K)

    @pl.when(j < GJ - 1)
    def _():
        edges_ref[...] = v

    @pl.when(j == GJ - 1)
    def _():
        edges_ref[...] = jnp.where(v >= N, v - N, v)


def _weights_sc_kernel(logit_hbm, out_hbm, lv_ref, buf_ref, sem):
    wid = lax.axis_index("s") * 2 + lax.axis_index("c")
    pltpu.sync_copy(logit_hbm, lv_ref)
    lv = lv_ref[...]
    s = 1.0 / (1.0 + jnp.exp(-lv / TAU))
    gate = jnp.minimum(jnp.maximum(s * (ZETA - GAMMA) + GAMMA, 0.0), 1.0)

    def fill(i, _):
        base = i * 80
        buf_ref[pl.ds(base, 16)] = gate
        buf_ref[pl.ds(base + 16, 16)] = gate
        buf_ref[pl.ds(base + 32, 16)] = gate
        buf_ref[pl.ds(base + 48, 16)] = gate
        buf_ref[pl.ds(base + 64, 16)] = gate
        return _

    lax.fori_loop(0, CHUNK // 80, fill, 0)
    base = wid * PER_W
    copies = [
        pltpu.async_copy(buf_ref, out_hbm.at[pl.ds(base + r * CHUNK, CHUNK)], sem)
        for r in range(REPS)
    ]
    for c in copies:
        c.wait()


_weights_sc = functools.partial(
    pl.kernel,
    out_type=jax.ShapeDtypeStruct((E,), jnp.float32),
    mesh=plsc.VectorSubcoreMesh(core_axis_name="c", subcore_axis_name="s"),
    scratch_types=[
        pltpu.VMEM((16,), jnp.float32),
        pltpu.VMEM((CHUNK,), jnp.float32),
        pltpu.SemaphoreType.DMA,
    ],
)(_weights_sc_kernel)


def kernel(x, batch, logit):
    del x, batch
    weights = _weights_sc(jnp.broadcast_to(logit, (16,)))
    edges, pen = pl.pallas_call(
        _edges_kernel,
        grid=(GJ,),
        in_specs=[pl.BlockSpec(memory_space=pltpu.SMEM)],
        out_specs=[
            pl.BlockSpec((2, BCE), lambda j: (0, j)),
            pl.BlockSpec(memory_space=pltpu.SMEM),
        ],
        out_shape=[
            jax.ShapeDtypeStruct((2, E), jnp.int32),
            jax.ShapeDtypeStruct((1,), jnp.float32),
        ],
        scratch_shapes=[pltpu.VMEM((2, BCE), jnp.int32)],
    )(logit)
    return edges, weights, pen.reshape(())

# --- scband reference (transcript-rebuilt; emitter-appended) ---
"""Pipeline reference for scband-structural-injection-manager-69415261438662 (READ-ONLY COPY).

The authoritative reference and input builder live on the scoring server;
editing this copy changes nothing except your own understanding.
"""

import jax, jax.numpy as jnp
import numpy as np
import math

N = 100000
D = 128
K = 16
TAU = 2.0
GAMMA = -0.1
ZETA = 1.1
EPS = 1e-06
INIT_LOGIT = 2.0


def setup_inputs(seed: int = 0) -> dict:
    key = jax.random.key(seed)
    k1, k2 = jax.random.split(key)
    x = jax.random.normal(k1, (N, D), dtype=jnp.float32)
    batch = jnp.zeros((1,), dtype=jnp.int32)  # dummy; knn strategy never reads batch
    # learned parameter: L0Gate logits, one per template (single 'knn::user' template)
    logit = jnp.full((1,), INIT_LOGIT, dtype=jnp.float32)
    return {"x": x, "batch": batch, "logit": logit}


def reference(x, batch, logit):
    # --- L0Gate forward (eval mode: deterministic hard-concrete mean) ---
    s = jax.nn.sigmoid(logit / TAU)
    y = jnp.clip(s * (ZETA - GAMMA) + GAMMA, 0.0, 1.0)
    gate_val = y[0]  # sigmoid(2/2)*1.2-0.1 ~= 0.777 > eval threshold 0.5, so template active

    # --- _generate_knn_edges for template {'type':'knn','node_type':'user','k':K} ---
    n = x.shape[0]
    src = jnp.repeat(jnp.arange(n), K)
    offsets = jnp.tile(jnp.arange(1, K + 1), n)
    dst = (src + offsets) % n
    edges = jnp.stack([src, dst])  # [2, N*K]

    # edge_weights[key] = gate_val * ones(E)
    weights = gate_val * jnp.ones(n * K, dtype=jnp.float32)

    # --- L0 penalty: sigmoid(logit - tau * log((0-gamma)/(zeta-0)+eps)).sum() ---
    c = math.log((0.0 - GAMMA) / (ZETA - 0.0) + EPS)
    l0_penalty = jax.nn.sigmoid(logit - TAU * c).sum()

    return edges, weights, l0_penalty

if __name__ == "__main__":
    import jax
    _d = setup_inputs()
    print(jax.jit(kernel)(*tuple(_d.values())))

</pallas_src>

<mosaic_0001>
#map = affine_map<(d0, d1) -> (0)>
module attributes {stable_mosaic.version = 14 : i64} {
  func.func @_weights_sc_kernel(%arg0: i32, %arg1: i32, %arg2: memref<16xf32, #tpu.memory_space<hbm>>, %arg3: memref<1600000xf32, #tpu.memory_space<hbm>>, %arg4: memref<16xf32, #tpu.memory_space<vmem>>, %arg5: memref<2000xf32, #tpu.memory_space<vmem>>, %arg6: memref<!tpu.dma_semaphore, #tpu.memory_space<semaphore_mem>>) attributes {dimension_semantics = [#tpu.dimension_semantics<core_parallel>, #tpu.dimension_semantics<subcore_parallel>], iteration_bounds = array<i64: 2, 16>, scalar_prefetch = 0 : i64, scratch_operands = 3 : i64, tpu.core_type = #tpu.core_type<sc_vector_subcore>, window_params = [{transform_indices = #map}, {transform_indices = #map}]} {
    %mul3A = arith.constant 2 : i32
    %mul3A_0 = arith.muli %arg1, %mul3A : i32
    %add3A = arith.addi %mul3A_0, %arg0 : i32
    "tpu.region"() ({
      %run_scoped3A = tpu.sem_alloc : memref<!tpu.dma_semaphore, #tpu.memory_space<semaphore_mem>>
      tpu.enqueue_dma source(%arg2 : memref<16xf32, #tpu.memory_space<hbm>>) target(%arg4 : memref<16xf32, #tpu.memory_space<vmem>>) target_semaphore(%run_scoped3A : memref<!tpu.dma_semaphore, #tpu.memory_space<semaphore_mem>>)
      tpu.wait_dma2 semaphore(%run_scoped3A : memref<!tpu.dma_semaphore, #tpu.memory_space<semaphore_mem>>) src(%arg2 : memref<16xf32, #tpu.memory_space<hbm>>) dst(%arg4 : memref<16xf32, #tpu.memory_space<vmem>>)
      tpu.yield
    }) : () -> ()
    %get3A = arith.constant 0 : index
    %get3A_1 = tpu.vector_load %arg4[%get3A] {strides = array<i32>} : memref<16xf32, #tpu.memory_space<vmem>>, vector<16xf32>,
    %get3A_2 = vector.shape_cast %get3A_1 : vector<16xf32> to vector<16xf32>
    %neg3A = arith.constant 0.000000e+00 : f32
    %neg3A_3 = vector.broadcast %neg3A : f32 to vector<16xf32>
    %neg3A_4 = arith.subf %neg3A_3, %get3A_2 : vector<16xf32>
    %div3A = arith.constant 2.000000e+00 : f32
    %div3A_5 = vector.broadcast %div3A : f32 to vector<16xf32>
    %div3A_6 = arith.divf %neg3A_4, %div3A_5 : vector<16xf32>
    %exp3A = math.exp %div3A_6 : vector<16xf32>
    %add3A_7 = arith.constant 1.000000e+00 : f32
    %add3A_8 = vector.broadcast %add3A_7 : f32 to vector<16xf32>
    %add3A_9 = arith.addf %add3A_8, %exp3A : vector<16xf32>
    %div3A_10 = arith.constant 1.000000e+00 : f32
    %div3A_11 = vector.broadcast %div3A_10 : f32 to vector<16xf32>
    %div3A_12 = arith.divf %div3A_11, %add3A_9 : vector<16xf32>
    %mul3A_13 = arith.constant 1.200000e+00 : f32
    %mul3A_14 = vector.broadcast %mul3A_13 : f32 to vector<16xf32>
    %mul3A_15 = arith.mulf %div3A_12, %mul3A_14 : vector<16xf32>
    %add3A_16 = arith.constant -1.000000e-01 : f32
    %add3A_17 = vector.broadcast %add3A_16 : f32 to vector<16xf32>
    %add3A_18 = arith.addf %mul3A_15, %add3A_17 : vector<16xf32>
    %max3A = arith.constant 0.000000e+00 : f32
    %max3A_19 = vector.broadcast %max3A : f32 to vector<16xf32>
    %max3A_20 = arith.maximumf %add3A_18, %max3A_19 : vector<16xf32>
    %min3A = arith.constant 1.000000e+00 : f32
    %min3A_21 = vector.broadcast %min3A : f32 to vector<16xf32>
    %min3A_22 = arith.minimumf %max3A_20, %min3A_21 : vector<16xf32>
    %scan3A = arith.constant 0 : i32
    %scan3A_23 = arith.constant 0 : i32
    %scan3A_24 = arith.constant 25 : i32
    %scan3A_25 = arith.addi %scan3A_23, %scan3A_24 : i32
    %scan3A_26 = arith.constant 1 : i32
    scf.for %scan3A_178 = %scan3A_23 to %scan3A_25 step %scan3A_26  : i32 {
      %mul3A_179 = arith.constant 80 : i32
      %mul3A_180 = arith.muli %scan3A_178, %mul3A_179 : i32
      %swap3A = arith.index_cast %mul3A_180 : i32 to index
      %swap3A_181 = tpu.vector_load %arg5[%swap3A] {strides = array<i32>} : memref<2000xf32, #tpu.memory_space<vmem>>, vector<16xf32>,
      %swap3A_182 = vector.shape_cast %swap3A_181 : vector<16xf32> to vector<16xf32>
      %swap3A_183 = vector.shape_cast %min3A_22 : vector<16xf32> to vector<16xf32>
      tpu.vector_store %arg5[%swap3A], %swap3A_183 {strides = array<i32>} : memref<2000xf32, #tpu.memory_space<vmem>>, vector<16xf32>,
      %add3A_184 = arith.constant 16 : i32
      %add3A_185 = arith.addi %mul3A_180, %add3A_184 : i32
      %swap3A_186 = arith.index_cast %add3A_185 : i32 to index
      %swap3A_187 = tpu.vector_load %arg5[%swap3A_186] {strides = array<i32>} : memref<2000xf32, #tpu.memory_space<vmem>>, vector<16xf32>,
      %swap3A_188 = vector.shape_cast %swap3A_187 : vector<16xf32> to vector<16xf32>
      %swap3A_189 = vector.shape_cast %min3A_22 : vector<16xf32> to vector<16xf32>
      tpu.vector_store %arg5[%swap3A_186], %swap3A_189 {strides = array<i32>} : memref<2000xf32, #tpu.memory_space<vmem>>, vector<16xf32>,
      %add3A_190 = arith.constant 32 : i32
      %add3A_191 = arith.addi %mul3A_180, %add3A_190 : i32
      %swap3A_192 = arith.index_cast %add3A_191 : i32 to index
      %swap3A_193 = tpu.vector_load %arg5[%swap3A_192] {strides = array<i32>} : memref<2000xf32, #tpu.memory_space<vmem>>, vector<16xf32>,
      %swap3A_194 = vector.shape_cast %swap3A_193 : vector<16xf32> to vector<16xf32>
      %swap3A_195 = vector.shape_cast %min3A_22 : vector<16xf32> to vector<16xf32>
      tpu.vector_store %arg5[%swap3A_192], %swap3A_195 {strides = array<i32>} : memref<2000xf32, #tpu.memory_space<vmem>>, vector<16xf32>,
      %add3A_196 = arith.constant 48 : i32
      %add3A_197 = arith.addi %mul3A_180, %add3A_196 : i32
      %swap3A_198 = arith.index_cast %add3A_197 : i32 to index
      %swap3A_199 = tpu.vector_load %arg5[%swap3A_198] {strides = array<i32>} : memref<2000xf32, #tpu.memory_space<vmem>>, vector<16xf32>,
      %swap3A_200 = vector.shape_cast %swap3A_199 : vector<16xf32> to vector<16xf32>
      %swap3A_201 = vector.shape_cast %min3A_22 : vector<16xf32> to vector<16xf32>
      tpu.vector_store %arg5[%swap3A_198], %swap3A_201 {strides = array<i32>} : memref<2000xf32, #tpu.memory_space<vmem>>, vector<16xf32>,
      %add3A_202 = arith.constant 64 : i32
      %add3A_203 = arith.addi %mul3A_180, %add3A_202 : i32
      %swap3A_204 = arith.index_cast %add3A_203 : i32 to index
      %swap3A_205 = tpu.vector_load %arg5[%swap3A_204] {strides = array<i32>} : memref<2000xf32, #tpu.memory_space<vmem>>, vector<16xf32>,
      %swap3A_206 = vector.shape_cast %swap3A_205 : vector<16xf32> to vector<16xf32>
      %swap3A_207 = vector.shape_cast %min3A_22 : vector<16xf32> to vector<16xf32>
      tpu.vector_store %arg5[%swap3A_204], %swap3A_207 {strides = array<i32>} : memref<2000xf32, #tpu.memory_space<vmem>>, vector<16xf32>,
    }
    %scan3A_27 = arith.constant 25 : i32
    %mul3A_28 = arith.constant 50000 : i32
    %mul3A_29 = arith.muli %add3A, %mul3A_28 : i32
    %add3A_30 = arith.constant 0 : i32
    %add3A_31 = arith.addi %mul3A_29, %add3A_30 : i32
    %dma_start3A = tpu.memref_slice %arg3[%add3A_31] : memref<1600000xf32, #tpu.memory_space<hbm>> -> memref<2000xf32, #tpu.memory_space<hbm>>
    %dma_start3A_32 = tpu.memref_slice %arg3[%add3A_31] : memref<1600000xf32, #tpu.memory_space<hbm>> -> memref<2000xf32, #tpu.memory_space<hbm>>
    tpu.enqueue_dma source(%arg5 : memref<2000xf32, #tpu.memory_space<vmem>>) target(%dma_start3A_32 : memref<2000xf32, #tpu.memory_space<hbm>>) target_semaphore(%arg6 : memref<!tpu.dma_semaphore, #tpu.memory_space<semaphore_mem>>)
    %add3A_33 = arith.constant 2000 : i32
    %add3A_34 = arith.addi %mul3A_29, %add3A_33 : i32
    %dma_start3A_35 = tpu.memref_slice %arg3[%add3A_34] : memref<1600000xf32, #tpu.memory_space<hbm>> -> memref<2000xf32, #tpu.memory_space<hbm>>
    %dma_start3A_36 = tpu.memref_slice %arg3[%add3A_34] : memref<1600000xf32, #tpu.memory_space<hbm>> -> memref<2000xf32, #tpu.memory_space<hbm>>
    tpu.enqueue_dma source(%arg5 : memref<2000xf32, #tpu.memory_space<vmem>>) target(%dma_start3A_36 : memref<2000xf32, #tpu.memory_space<hbm>>) target_semaphore(%arg6 : memref<!tpu.dma_semaphore, #tpu.memory_space<semaphore_mem>>)
    %add3A_37 = arith.constant 4000 : i32
    %add3A_38 = arith.addi %mul3A_29, %add3A_37 : i32
    %dma_start3A_39 = tpu.memref_slice %arg3[%add3A_38] : memref<1600000xf32, #tpu.memory_space<hbm>> -> memref<2000xf32, #tpu.memory_space<hbm>>
    %dma_start3A_40 = tpu.memref_slice %arg3[%add3A_38] : memref<1600000xf32, #tpu.memory_space<hbm>> -> memref<2000xf32, #tpu.memory_space<hbm>>
    tpu.enqueue_dma source(%arg5 : memref<2000xf32, #tpu.memory_space<vmem>>) target(%dma_start3A_40 : memref<2000xf32, #tpu.memory_space<hbm>>) target_semaphore(%arg6 : memref<!tpu.dma_semaphore, #tpu.memory_space<semaphore_mem>>)
    %add3A_41 = arith.constant 6000 : i32
    %add3A_42 = arith.addi %mul3A_29, %add3A_41 : i32
    %dma_start3A_43 = tpu.memref_slice %arg3[%add3A_42] : memref<1600000xf32, #tpu.memory_space<hbm>> -> memref<2000xf32, #tpu.memory_space<hbm>>
    %dma_start3A_44 = tpu.memref_slice %arg3[%add3A_42] : memref<1600000xf32, #tpu.memory_space<hbm>> -> memref<2000xf32, #tpu.memory_space<hbm>>
    tpu.enqueue_dma source(%arg5 : memref<2000xf32, #tpu.memory_space<vmem>>) target(%dma_start3A_44 : memref<2000xf32, #tpu.memory_space<hbm>>) target_semaphore(%arg6 : memref<!tpu.dma_semaphore, #tpu.memory_space<semaphore_mem>>)
    %add3A_45 = arith.constant 8000 : i32
    %add3A_46 = arith.addi %mul3A_29, %add3A_45 : i32
    %dma_start3A_47 = tpu.memref_slice %arg3[%add3A_46] : memref<1600000xf32, #tpu.memory_space<hbm>> -> memref<2000xf32, #tpu.memory_space<hbm>>
    %dma_start3A_48 = tpu.memref_slice %arg3[%add3A_46] : memref<1600000xf32, #tpu.memory_space<hbm>> -> memref<2000xf32, #tpu.memory_space<hbm>>
    tpu.enqueue_dma source(%arg5 : memref<2000xf32, #tpu.memory_space<vmem>>) target(%dma_start3A_48 : memref<2000xf32, #tpu.memory_space<hbm>>) target_semaphore(%arg6 : memref<!tpu.dma_semaphore, #tpu.memory_space<semaphore_mem>>)
    %add3A_49 = arith.constant 10000 : i32
    %add3A_50 = arith.addi %mul3A_29, %add3A_49 : i32
    %dma_start3A_51 = tpu.memref_slice %arg3[%add3A_50] : memref<1600000xf32, #tpu.memory_space<hbm>> -> memref<2000xf32, #tpu.memory_space<hbm>>
    %dma_start3A_52 = tpu.memref_slice %arg3[%add3A_50] : memref<1600000xf32, #tpu.memory_space<hbm>> -> memref<2000xf32, #tpu.memory_space<hbm>>
    tpu.enqueue_dma source(%arg5 : memref<2000xf32, #tpu.memory_space<vmem>>) target(%dma_start3A_52 : memref<2000xf32, #tpu.memory_space<hbm>>) target_semaphore(%arg6 : memref<!tpu.dma_semaphore, #tpu.memory_space<semaphore_mem>>)
    %add3A_53 = arith.constant 12000 : i32
    %add3A_54 = arith.addi %mul3A_29, %add3A_53 : i32
    %dma_start3A_55 = tpu.memref_slice %arg3[%add3A_54] : memref<1600000xf32, #tpu.memory_space<hbm>> -> memref<2000xf32, #tpu.memory_space<hbm>>
    %dma_start3A_56 = tpu.memref_slice %arg3[%add3A_54] : memref<1600000xf32, #tpu.memory_space<hbm>> -> memref<2000xf32, #tpu.memory_space<hbm>>
    tpu.enqueue_dma source(%arg5 : memref<2000xf32, #tpu.memory_space<vmem>>) target(%dma_start3A_56 : memref<2000xf32, #tpu.memory_space<hbm>>) target_semaphore(%arg6 : memref<!tpu.dma_semaphore, #tpu.memory_space<semaphore_mem>>)
    %add3A_57 = arith.constant 14000 : i32
    %add3A_58 = arith.addi %mul3A_29, %add3A_57 : i32
    %dma_start3A_59 = tpu.memref_slice %arg3[%add3A_58] : memref<1600000xf32, #tpu.memory_space<hbm>> -> memref<2000xf32, #tpu.memory_space<hbm>>
    %dma_start3A_60 = tpu.memref_slice %arg3[%add3A_58] : memref<1600000xf32, #tpu.memory_space<hbm>> -> memref<2000xf32, #tpu.memory_space<hbm>>
    tpu.enqueue_dma source(%arg5 : memref<2000xf32, #tpu.memory_space<vmem>>) target(%dma_start3A_60 : memref<2000xf32, #tpu.memory_space<hbm>>) target_semaphore(%arg6 : memref<!tpu.dma_semaphore, #tpu.memory_space<semaphore_mem>>)
    %add3A_61 = arith.constant 16000 : i32
    %add3A_62 = arith.addi %mul3A_29, %add3A_61 : i32
    %dma_start3A_63 = tpu.memref_slice %arg3[%add3A_62] : memref<1600000xf32, #tpu.memory_space<hbm>> -> memref<2000xf32, #tpu.memory_space<hbm>>
    %dma_start3A_64 = tpu.memref_slice %arg3[%add3A_62] : memref<1600000xf32, #tpu.memory_space<hbm>> -> memref<2000xf32, #tpu.memory_space<hbm>>
    tpu.enqueue_dma source(%arg5 : memref<2000xf32, #tpu.memory_space<vmem>>) target(%dma_start3A_64 : memref<2000xf32, #tpu.memory_space<hbm>>) target_semaphore(%arg6 : memref<!tpu.dma_semaphore, #tpu.memory_space<semaphore_mem>>)
    %add3A_65 = arith.constant 18000 : i32
    %add3A_66 = arith.addi %mul3A_29, %add3A_65 : i32
    %dma_start3A_67 = tpu.memref_slice %arg3[%add3A_66] : memref<1600000xf32, #tpu.memory_space<hbm>> -> memref<2000xf32, #tpu.memory_space<hbm>>
    %dma_start3A_68 = tpu.memref_slice %arg3[%add3A_66] : memref<1600000xf32, #tpu.memory_space<hbm>> -> memref<2000xf32, #tpu.memory_space<hbm>>
    tpu.enqueue_dma source(%arg5 : memref<2000xf32, #tpu.memory_space<vmem>>) target(%dma_start3A_68 : memref<2000xf32, #tpu.memory_space<hbm>>) target_semaphore(%arg6 : memref<!tpu.dma_semaphore, #tpu.memory_space<semaphore_mem>>)
    %add3A_69 = arith.constant 20000 : i32
    %add3A_70 = arith.addi %mul3A_29, %add3A_69 : i32
    %dma_start3A_71 = tpu.memref_slice %arg3[%add3A_70] : memref<1600000xf32, #tpu.memory_space<hbm>> -> memref<2000xf32, #tpu.memory_space<hbm>>
    %dma_start3A_72 = tpu.memref_slice %arg3[%add3A_70] : memref<1600000xf32, #tpu.memory_space<hbm>> -> memref<2000xf32, #tpu.memory_space<hbm>>
    tpu.enqueue_dma source(%arg5 : memref<2000xf32, #tpu.memory_space<vmem>>) target(%dma_start3A_72 : memref<2000xf32, #tpu.memory_space<hbm>>) target_semaphore(%arg6 : memref<!tpu.dma_semaphore, #tpu.memory_space<semaphore_mem>>)
    %add3A_73 = arith.constant 22000 : i32
    %add3A_74 = arith.addi %mul3A_29, %add3A_73 : i32
    %dma_start3A_75 = tpu.memref_slice %arg3[%add3A_74] : memref<1600000xf32, #tpu.memory_space<hbm>> -> memref<2000xf32, #tpu.memory_space<hbm>>
    %dma_start3A_76 = tpu.memref_slice %arg3[%add3A_74] : memref<1600000xf32, #tpu.memory_space<hbm>> -> memref<2000xf32, #tpu.memory_space<hbm>>
    tpu.enqueue_dma source(%arg5 : memref<2000xf32, #tpu.memory_space<vmem>>) target(%dma_start3A_76 : memref<2000xf32, #tpu.memory_space<hbm>>) target_semaphore(%arg6 : memref<!tpu.dma_semaphore, #tpu.memory_space<semaphore_mem>>)
    %add3A_77 = arith.constant 24000 : i32
    %add3A_78 = arith.addi %mul3A_29, %add3A_77 : i32
    %dma_start3A_79 = tpu.memref_slice %arg3[%add3A_78] : memref<1600000xf32, #tpu.memory_space<hbm>> -> memref<2000xf32, #tpu.memory_space<hbm>>
    %dma_start3A_80 = tpu.memref_slice %arg3[%add3A_78] : memref<1600000xf32, #tpu.memory_space<hbm>> -> memref<2000xf32, #tpu.memory_space<hbm>>
    tpu.enqueue_dma source(%arg5 : memref<2000xf32, #tpu.memory_space<vmem>>) target(%dma_start3A_80 : memref<2000xf32, #tpu.memory_space<hbm>>) target_semaphore(%arg6 : memref<!tpu.dma_semaphore, #tpu.memory_space<semaphore_mem>>)
    %add3A_81 = arith.constant 26000 : i32
    %add3A_82 = arith.addi %mul3A_29, %add3A_81 : i32
    %dma_start3A_83 = tpu.memref_slice %arg3[%add3A_82] : memref<1600000xf32, #tpu.memory_space<hbm>> -> memref<2000xf32, #tpu.memory_space<hbm>>
    %dma_start3A_84 = tpu.memref_slice %arg3[%add3A_82] : memref<1600000xf32, #tpu.memory_space<hbm>> -> memref<2000xf32, #tpu.memory_space<hbm>>
    tpu.enqueue_dma source(%arg5 : memref<2000xf32, #tpu.memory_space<vmem>>) target(%dma_start3A_84 : memref<2000xf32, #tpu.memory_space<hbm>>) target_semaphore(%arg6 : memref<!tpu.dma_semaphore, #tpu.memory_space<semaphore_mem>>)
    %add3A_85 = arith.constant 28000 : i32
    %add3A_86 = arith.addi %mul3A_29, %add3A_85 : i32
    %dma_start3A_87 = tpu.memref_slice %arg3[%add3A_86] : memref<1600000xf32, #tpu.memory_space<hbm>> -> memref<2000xf32, #tpu.memory_space<hbm>>
    %dma_start3A_88 = tpu.memref_slice %arg3[%add3A_86] : memref<1600000xf32, #tpu.memory_space<hbm>> -> memref<2000xf32, #tpu.memory_space<hbm>>
    tpu.enqueue_dma source(%arg5 : memref<2000xf32, #tpu.memory_space<vmem>>) target(%dma_start3A_88 : memref<2000xf32, #tpu.memory_space<hbm>>) target_semaphore(%arg6 : memref<!tpu.dma_semaphore, #tpu.memory_space<semaphore_mem>>)
    %add3A_89 = arith.constant 30000 : i32
    %add3A_90 = arith.addi %mul3A_29, %add3A_89 : i32
    %dma_start3A_91 = tpu.memref_slice %arg3[%add3A_90] : memref<1600000xf32, #tpu.memory_space<hbm>> -> memref<2000xf32, #tpu.memory_space<hbm>>
    %dma_start3A_92 = tpu.memref_slice %arg3[%add3A_90] : memref<1600000xf32, #tpu.memory_space<hbm>> -> memref<2000xf32, #tpu.memory_space<hbm>>
    tpu.enqueue_dma source(%arg5 : memref<2000xf32, #tpu.memory_space<vmem>>) target(%dma_start3A_92 : memref<2000xf32, #tpu.memory_space<hbm>>) target_semaphore(%arg6 : memref<!tpu.dma_semaphore, #tpu.memory_space<semaphore_mem>>)
    %add3A_93 = arith.constant 32000 : i32
    %add3A_94 = arith.addi %mul3A_29, %add3A_93 : i32
    %dma_start3A_95 = tpu.memref_slice %arg3[%add3A_94] : memref<1600000xf32, #tpu.memory_space<hbm>> -> memref<2000xf32, #tpu.memory_space<hbm>>
    %dma_start3A_96 = tpu.memref_slice %arg3[%add3A_94] : memref<1600000xf32, #tpu.memory_space<hbm>> -> memref<2000xf32, #tpu.memory_space<hbm>>
    tpu.enqueue_dma source(%arg5 : memref<2000xf32, #tpu.memory_space<vmem>>) target(%dma_start3A_96 : memref<2000xf32, #tpu.memory_space<hbm>>) target_semaphore(%arg6 : memref<!tpu.dma_semaphore, #tpu.memory_space<semaphore_mem>>)
    %add3A_97 = arith.constant 34000 : i32
    %add3A_98 = arith.addi %mul3A_29, %add3A_97 : i32
    %dma_start3A_99 = tpu.memref_slice %arg3[%add3A_98] : memref<1600000xf32, #tpu.memory_space<hbm>> -> memref<2000xf32, #tpu.memory_space<hbm>>
    %dma_start3A_100 = tpu.memref_slice %arg3[%add3A_98] : memref<1600000xf32, #tpu.memory_space<hbm>> -> memref<2000xf32, #tpu.memory_space<hbm>>
    tpu.enqueue_dma source(%arg5 : memref<2000xf32, #tpu.memory_space<vmem>>) target(%dma_start3A_100 : memref<2000xf32, #tpu.memory_space<hbm>>) target_semaphore(%arg6 : memref<!tpu.dma_semaphore, #tpu.memory_space<semaphore_mem>>)
    %add3A_101 = arith.constant 36000 : i32
    %add3A_102 = arith.addi %mul3A_29, %add3A_101 : i32
    %dma_start3A_103 = tpu.memref_slice %arg3[%add3A_102] : memref<1600000xf32, #tpu.memory_space<hbm>> -> memref<2000xf32, #tpu.memory_space<hbm>>
    %dma_start3A_104 = tpu.memref_slice %arg3[%add3A_102] : memref<1600000xf32, #tpu.memory_space<hbm>> -> memref<2000xf32, #tpu.memory_space<hbm>>
    tpu.enqueue_dma source(%arg5 : memref<2000xf32, #tpu.memory_space<vmem>>) target(%dma_start3A_104 : memref<2000xf32, #tpu.memory_space<hbm>>) target_semaphore(%arg6 : memref<!tpu.dma_semaphore, #tpu.memory_space<semaphore_mem>>)
    %add3A_105 = arith.constant 38000 : i32
    %add3A_106 = arith.addi %mul3A_29, %add3A_105 : i32
    %dma_start3A_107 = tpu.memref_slice %arg3[%add3A_106] : memref<1600000xf32, #tpu.memory_space<hbm>> -> memref<2000xf32, #tpu.memory_space<hbm>>
    %dma_start3A_108 = tpu.memref_slice %arg3[%add3A_106] : memref<1600000xf32, #tpu.memory_space<hbm>> -> memref<2000xf32, #tpu.memory_space<hbm>>
    tpu.enqueue_dma source(%arg5 : memref<2000xf32, #tpu.memory_space<vmem>>) target(%dma_start3A_108 : memref<2000xf32, #tpu.memory_space<hbm>>) target_semaphore(%arg6 : memref<!tpu.dma_semaphore, #tpu.memory_space<semaphore_mem>>)
    %add3A_109 = arith.constant 40000 : i32
    %add3A_110 = arith.addi %mul3A_29, %add3A_109 : i32
    %dma_start3A_111 = tpu.memref_slice %arg3[%add3A_110] : memref<1600000xf32, #tpu.memory_space<hbm>> -> memref<2000xf32, #tpu.memory_space<hbm>>
    %dma_start3A_112 = tpu.memref_slice %arg3[%add3A_110] : memref<1600000xf32, #tpu.memory_space<hbm>> -> memref<2000xf32, #tpu.memory_space<hbm>>
    tpu.enqueue_dma source(%arg5 : memref<2000xf32, #tpu.memory_space<vmem>>) target(%dma_start3A_112 : memref<2000xf32, #tpu.memory_space<hbm>>) target_semaphore(%arg6 : memref<!tpu.dma_semaphore, #tpu.memory_space<semaphore_mem>>)
    %add3A_113 = arith.constant 42000 : i32
    %add3A_114 = arith.addi %mul3A_29, %add3A_113 : i32
    %dma_start3A_115 = tpu.memref_slice %arg3[%add3A_114] : memref<1600000xf32, #tpu.memory_space<hbm>> -> memref<2000xf32, #tpu.memory_space<hbm>>
    %dma_start3A_116 = tpu.memref_slice %arg3[%add3A_114] : memref<1600000xf32, #tpu.memory_space<hbm>> -> memref<2000xf32, #tpu.memory_space<hbm>>
    tpu.enqueue_dma source(%arg5 : memref<2000xf32, #tpu.memory_space<vmem>>) target(%dma_start3A_116 : memref<2000xf32, #tpu.memory_space<hbm>>) target_semaphore(%arg6 : memref<!tpu.dma_semaphore, #tpu.memory_space<semaphore_mem>>)
    %add3A_117 = arith.constant 44000 : i32
    %add3A_118 = arith.addi %mul3A_29, %add3A_117 : i32
    %dma_start3A_119 = tpu.memref_slice %arg3[%add3A_118] : memref<1600000xf32, #tpu.memory_space<hbm>> -> memref<2000xf32, #tpu.memory_space<hbm>>
    %dma_start3A_120 = tpu.memref_slice %arg3[%add3A_118] : memref<1600000xf32, #tpu.memory_space<hbm>> -> memref<2000xf32, #tpu.memory_space<hbm>>
    tpu.enqueue_dma source(%arg5 : memref<2000xf32, #tpu.memory_space<vmem>>) target(%dma_start3A_120 : memref<2000xf32, #tpu.memory_space<hbm>>) target_semaphore(%arg6 : memref<!tpu.dma_semaphore, #tpu.memory_space<semaphore_mem>>)
    %add3A_121 = arith.constant 46000 : i32
    %add3A_122 = arith.addi %mul3A_29, %add3A_121 : i32
    %dma_start3A_123 = tpu.memref_slice %arg3[%add3A_122] : memref<1600000xf32, #tpu.memory_space<hbm>> -> memref<2000xf32, #tpu.memory_space<hbm>>
    %dma_start3A_124 = tpu.memref_slice %arg3[%add3A_122] : memref<1600000xf32, #tpu.memory_space<hbm>> -> memref<2000xf32, #tpu.memory_space<hbm>>
    tpu.enqueue_dma source(%arg5 : memref<2000xf32, #tpu.memory_space<vmem>>) target(%dma_start3A_124 : memref<2000xf32, #tpu.memory_space<hbm>>) target_semaphore(%arg6 : memref<!tpu.dma_semaphore, #tpu.memory_space<semaphore_mem>>)
    %add3A_125 = arith.constant 48000 : i32
    %add3A_126 = arith.addi %mul3A_29, %add3A_125 : i32
    %dma_start3A_127 = tpu.memref_slice %arg3[%add3A_126] : memref<1600000xf32, #tpu.memory_space<hbm>> -> memref<2000xf32, #tpu.memory_space<hbm>>
    %dma_start3A_128 = tpu.memref_slice %arg3[%add3A_126] : memref<1600000xf32, #tpu.memory_space<hbm>> -> memref<2000xf32, #tpu.memory_space<hbm>>
    tpu.enqueue_dma source(%arg5 : memref<2000xf32, #tpu.memory_space<vmem>>) target(%dma_start3A_128 : memref<2000xf32, #tpu.memory_space<hbm>>) target_semaphore(%arg6 : memref<!tpu.dma_semaphore, #tpu.memory_space<semaphore_mem>>)
    %dma_wait3A = tpu.memref_slice %arg3[%add3A_31] : memref<1600000xf32, #tpu.memory_space<hbm>> -> memref<2000xf32, #tpu.memory_space<hbm>>
    %dma_wait3A_129 = tpu.memref_slice %arg3[%add3A_31] : memref<1600000xf32, #tpu.memory_space<hbm>> -> memref<2000xf32, #tpu.memory_space<hbm>>
    tpu.wait_dma2 semaphore(%arg6 : memref<!tpu.dma_semaphore, #tpu.memory_space<semaphore_mem>>) src(%arg5 : memref<2000xf32, #tpu.memory_space<vmem>>) dst(%dma_wait3A_129 : memref<2000xf32, #tpu.memory_space<hbm>>)
    %dma_wait3A_130 = tpu.memref_slice %arg3[%add3A_34] : memref<1600000xf32, #tpu.memory_space<hbm>> -> memref<2000xf32, #tpu.memory_space<hbm>>
    %dma_wait3A_131 = tpu.memref_slice %arg3[%add3A_34] : memref<1600000xf32, #tpu.memory_space<hbm>> -> memref<2000xf32, #tpu.memory_space<hbm>>
    tpu.wait_dma2 semaphore(%arg6 : memref<!tpu.dma_semaphore, #tpu.memory_space<semaphore_mem>>) src(%arg5 : memref<2000xf32, #tpu.memory_space<vmem>>) dst(%dma_wait3A_131 : memref<2000xf32, #tpu.memory_space<hbm>>)
    %dma_wait3A_132 = tpu.memref_slice %arg3[%add3A_38] : memref<1600000xf32, #tpu.memory_space<hbm>> -> memref<2000xf32, #tpu.memory_space<hbm>>
    %dma_wait3A_133 = tpu.memref_slice %arg3[%add3A_38] : memref<1600000xf32, #tpu.memory_space<hbm>> -> memref<2000xf32, #tpu.memory_space<hbm>>
    tpu.wait_dma2 semaphore(%arg6 : memref<!tpu.dma_semaphore, #tpu.memory_space<semaphore_mem>>) src(%arg5 : memref<2000xf32, #tpu.memory_space<vmem>>) dst(%dma_wait3A_133 : memref<2000xf32, #tpu.memory_space<hbm>>)
    %dma_wait3A_134 = tpu.memref_slice %arg3[%add3A_42] : memref<1600000xf32, #tpu.memory_space<hbm>> -> memref<2000xf32, #tpu.memory_space<hbm>>
    %dma_wait3A_135 = tpu.memref_slice %arg3[%add3A_42] : memref<1600000xf32, #tpu.memory_space<hbm>> -> memref<2000xf32, #tpu.memory_space<hbm>>
    tpu.wait_dma2 semaphore(%arg6 : memref<!tpu.dma_semaphore, #tpu.memory_space<semaphore_mem>>) src(%arg5 : memref<2000xf32, #tpu.memory_space<vmem>>) dst(%dma_wait3A_135 : memref<2000xf32, #tpu.memory_space<hbm>>)
    %dma_wait3A_136 = tpu.memref_slice %arg3[%add3A_46] : memref<1600000xf32, #tpu.memory_space<hbm>> -> memref<2000xf32, #tpu.memory_space<hbm>>
    %dma_wait3A_137 = tpu.memref_slice %arg3[%add3A_46] : memref<1600000xf32, #tpu.memory_space<hbm>> -> memref<2000xf32, #tpu.memory_space<hbm>>
    tpu.wait_dma2 semaphore(%arg6 : memref<!tpu.dma_semaphore, #tpu.memory_space<semaphore_mem>>) src(%arg5 : memref<2000xf32, #tpu.memory_space<vmem>>) dst(%dma_wait3A_137 : memref<2000xf32, #tpu.memory_space<hbm>>)
    %dma_wait3A_138 = tpu.memref_slice %arg3[%add3A_50] : memref<1600000xf32, #tpu.memory_space<hbm>> -> memref<2000xf32, #tpu.memory_space<hbm>>
    %dma_wait3A_139 = tpu.memref_slice %arg3[%add3A_50] : memref<1600000xf32, #tpu.memory_space<hbm>> -> memref<2000xf32, #tpu.memory_space<hbm>>
    tpu.wait_dma2 semaphore(%arg6 : memref<!tpu.dma_semaphore, #tpu.memory_space<semaphore_mem>>) src(%arg5 : memref<2000xf32, #tpu.memory_space<vmem>>) dst(%dma_wait3A_139 : memref<2000xf32, #tpu.memory_space<hbm>>)
    %dma_wait3A_140 = tpu.memref_slice %arg3[%add3A_54] : memref<1600000xf32, #tpu.memory_space<hbm>> -> memref<2000xf32, #tpu.memory_space<hbm>>
    %dma_wait3A_141 = tpu.memref_slice %arg3[%add3A_54] : memref<1600000xf32, #tpu.memory_space<hbm>> -> memref<2000xf32, #tpu.memory_space<hbm>>
    tpu.wait_dma2 semaphore(%arg6 : memref<!tpu.dma_semaphore, #tpu.memory_space<semaphore_mem>>) src(%arg5 : memref<2000xf32, #tpu.memory_space<vmem>>) dst(%dma_wait3A_141 : memref<2000xf32, #tpu.memory_space<hbm>>)
    %dma_wait3A_142 = tpu.memref_slice %arg3[%add3A_58] : memref<1600000xf32, #tpu.memory_space<hbm>> -> memref<2000xf32, #tpu.memory_space<hbm>>
    %dma_wait3A_143 = tpu.memref_slice %arg3[%add3A_58] : memref<1600000xf32, #tpu.memory_space<hbm>> -> memref<2000xf32, #tpu.memory_space<hbm>>
    tpu.wait_dma2 semaphore(%arg6 : memref<!tpu.dma_semaphore, #tpu.memory_space<semaphore_mem>>) src(%arg5 : memref<2000xf32, #tpu.memory_space<vmem>>) dst(%dma_wait3A_143 : memref<2000xf32, #tpu.memory_space<hbm>>)
    %dma_wait3A_144 = tpu.memref_slice %arg3[%add3A_62] : memref<1600000xf32, #tpu.memory_space<hbm>> -> memref<2000xf32, #tpu.memory_space<hbm>>
    %dma_wait3A_145 = tpu.memref_slice %arg3[%add3A_62] : memref<1600000xf32, #tpu.memory_space<hbm>> -> memref<2000xf32, #tpu.memory_space<hbm>>
    tpu.wait_dma2 semaphore(%arg6 : memref<!tpu.dma_semaphore, #tpu.memory_space<semaphore_mem>>) src(%arg5 : memref<2000xf32, #tpu.memory_space<vmem>>) dst(%dma_wait3A_145 : memref<2000xf32, #tpu.memory_space<hbm>>)
    %dma_wait3A_146 = tpu.memref_slice %arg3[%add3A_66] : memref<1600000xf32, #tpu.memory_space<hbm>> -> memref<2000xf32, #tpu.memory_space<hbm>>
    %dma_wait3A_147 = tpu.memref_slice %arg3[%add3A_66] : memref<1600000xf32, #tpu.memory_space<hbm>> -> memref<2000xf32, #tpu.memory_space<hbm>>
    tpu.wait_dma2 semaphore(%arg6 : memref<!tpu.dma_semaphore, #tpu.memory_space<semaphore_mem>>) src(%arg5 : memref<2000xf32, #tpu.memory_space<vmem>>) dst(%dma_wait3A_147 : memref<2000xf32, #tpu.memory_space<hbm>>)
    %dma_wait3A_148 = tpu.memref_slice %arg3[%add3A_70] : memref<1600000xf32, #tpu.memory_space<hbm>> -> memref<2000xf32, #tpu.memory_space<hbm>>
    %dma_wait3A_149 = tpu.memref_slice %arg3[%add3A_70] : memref<1600000xf32, #tpu.memory_space<hbm>> -> memref<2000xf32, #tpu.memory_space<hbm>>
    tpu.wait_dma2 semaphore(%arg6 : memref<!tpu.dma_semaphore, #tpu.memory_space<semaphore_mem>>) src(%arg5 : memref<2000xf32, #tpu.memory_space<vmem>>) dst(%dma_wait3A_149 : memref<2000xf32, #tpu.memory_space<hbm>>)
    %dma_wait3A_150 = tpu.memref_slice %arg3[%add3A_74] : memref<1600000xf32, #tpu.memory_space<hbm>> -> memref<2000xf32, #tpu.memory_space<hbm>>
    %dma_wait3A_151 = tpu.memref_slice %arg3[%add3A_74] : memref<1600000xf32, #tpu.memory_space<hbm>> -> memref<2000xf32, #tpu.memory_space<hbm>>
    tpu.wait_dma2 semaphore(%arg6 : memref<!tpu.dma_semaphore, #tpu.memory_space<semaphore_mem>>) src(%arg5 : memref<2000xf32, #tpu.memory_space<vmem>>) dst(%dma_wait3A_151 : memref<2000xf32, #tpu.memory_space<hbm>>)
    %dma_wait3A_152 = tpu.memref_slice %arg3[%add3A_78] : memref<1600000xf32, #tpu.memory_space<hbm>> -> memref<2000xf32, #tpu.memory_space<hbm>>
    %dma_wait3A_153 = tpu.memref_slice %arg3[%add3A_78] : memref<1600000xf32, #tpu.memory_space<hbm>> -> memref<2000xf32, #tpu.memory_space<hbm>>
    tpu.wait_dma2 semaphore(%arg6 : memref<!tpu.dma_semaphore, #tpu.memory_space<semaphore_mem>>) src(%arg5 : memref<2000xf32, #tpu.memory_space<vmem>>) dst(%dma_wait3A_153 : memref<2000xf32, #tpu.memory_space<hbm>>)
    %dma_wait3A_154 = tpu.memref_slice %arg3[%add3A_82] : memref<1600000xf32, #tpu.memory_space<hbm>> -> memref<2000xf32, #tpu.memory_space<hbm>>
    %dma_wait3A_155 = tpu.memref_slice %arg3[%add3A_82] : memref<1600000xf32, #tpu.memory_space<hbm>> -> memref<2000xf32, #tpu.memory_space<hbm>>
    tpu.wait_dma2 semaphore(%arg6 : memref<!tpu.dma_semaphore, #tpu.memory_space<semaphore_mem>>) src(%arg5 : memref<2000xf32, #tpu.memory_space<vmem>>) dst(%dma_wait3A_155 : memref<2000xf32, #tpu.memory_space<hbm>>)
    %dma_wait3A_156 = tpu.memref_slice %arg3[%add3A_86] : memref<1600000xf32, #tpu.memory_space<hbm>> -> memref<2000xf32, #tpu.memory_space<hbm>>
    %dma_wait3A_157 = tpu.memref_slice %arg3[%add3A_86] : memref<1600000xf32, #tpu.memory_space<hbm>> -> memref<2000xf32, #tpu.memory_space<hbm>>
    tpu.wait_dma2 semaphore(%arg6 : memref<!tpu.dma_semaphore, #tpu.memory_space<semaphore_mem>>) src(%arg5 : memref<2000xf32, #tpu.memory_space<vmem>>) dst(%dma_wait3A_157 : memref<2000xf32, #tpu.memory_space<hbm>>)
    %dma_wait3A_158 = tpu.memref_slice %arg3[%add3A_90] : memref<1600000xf32, #tpu.memory_space<hbm>> -> memref<2000xf32, #tpu.memory_space<hbm>>
    %dma_wait3A_159 = tpu.memref_slice %arg3[%add3A_90] : memref<1600000xf32, #tpu.memory_space<hbm>> -> memref<2000xf32, #tpu.memory_space<hbm>>
    tpu.wait_dma2 semaphore(%arg6 : memref<!tpu.dma_semaphore, #tpu.memory_space<semaphore_mem>>) src(%arg5 : memref<2000xf32, #tpu.memory_space<vmem>>) dst(%dma_wait3A_159 : memref<2000xf32, #tpu.memory_space<hbm>>)
    %dma_wait3A_160 = tpu.memref_slice %arg3[%add3A_94] : memref<1600000xf32, #tpu.memory_space<hbm>> -> memref<2000xf32, #tpu.memory_space<hbm>>
    %dma_wait3A_161 = tpu.memref_slice %arg3[%add3A_94] : memref<1600000xf32, #tpu.memory_space<hbm>> -> memref<2000xf32, #tpu.memory_space<hbm>>
    tpu.wait_dma2 semaphore(%arg6 : memref<!tpu.dma_semaphore, #tpu.memory_space<semaphore_mem>>) src(%arg5 : memref<2000xf32, #tpu.memory_space<vmem>>) dst(%dma_wait3A_161 : memref<2000xf32, #tpu.memory_space<hbm>>)
    %dma_wait3A_162 = tpu.memref_slice %arg3[%add3A_98] : memref<1600000xf32, #tpu.memory_space<hbm>> -> memref<2000xf32, #tpu.memory_space<hbm>>
    %dma_wait3A_163 = tpu.memref_slice %arg3[%add3A_98] : memref<1600000xf32, #tpu.memory_space<hbm>> -> memref<2000xf32, #tpu.memory_space<hbm>>
    tpu.wait_dma2 semaphore(%arg6 : memref<!tpu.dma_semaphore, #tpu.memory_space<semaphore_mem>>) src(%arg5 : memref<2000xf32, #tpu.memory_space<vmem>>) dst(%dma_wait3A_163 : memref<2000xf32, #tpu.memory_space<hbm>>)
    %dma_wait3A_164 = tpu.memref_slice %arg3[%add3A_102] : memref<1600000xf32, #tpu.memory_space<hbm>> -> memref<2000xf32, #tpu.memory_space<hbm>>
    %dma_wait3A_165 = tpu.memref_slice %arg3[%add3A_102] : memref<1600000xf32, #tpu.memory_space<hbm>> -> memref<2000xf32, #tpu.memory_space<hbm>>
    tpu.wait_dma2 semaphore(%arg6 : memref<!tpu.dma_semaphore, #tpu.memory_space<semaphore_mem>>) src(%arg5 : memref<2000xf32, #tpu.memory_space<vmem>>) dst(%dma_wait3A_165 : memref<2000xf32, #tpu.memory_space<hbm>>)
    %dma_wait3A_166 = tpu.memref_slice %arg3[%add3A_106] : memref<1600000xf32, #tpu.memory_space<hbm>> -> memref<2000xf32, #tpu.memory_space<hbm>>
    %dma_wait3A_167 = tpu.memref_slice %arg3[%add3A_106] : memref<1600000xf32, #tpu.memory_space<hbm>> -> memref<2000xf32, #tpu.memory_space<hbm>>
    tpu.wait_dma2 semaphore(%arg6 : memref<!tpu.dma_semaphore, #tpu.memory_space<semaphore_mem>>) src(%arg5 : memref<2000xf32, #tpu.memory_space<vmem>>) dst(%dma_wait3A_167 : memref<2000xf32, #tpu.memory_space<hbm>>)
    %dma_wait3A_168 = tpu.memref_slice %arg3[%add3A_110] : memref<1600000xf32, #tpu.memory_space<hbm>> -> memref<2000xf32, #tpu.memory_space<hbm>>
    %dma_wait3A_169 = tpu.memref_slice %arg3[%add3A_110] : memref<1600000xf32, #tpu.memory_space<hbm>> -> memref<2000xf32, #tpu.memory_space<hbm>>
    tpu.wait_dma2 semaphore(%arg6 : memref<!tpu.dma_semaphore, #tpu.memory_space<semaphore_mem>>) src(%arg5 : memref<2000xf32, #tpu.memory_space<vmem>>) dst(%dma_wait3A_169 : memref<2000xf32, #tpu.memory_space<hbm>>)
    %dma_wait3A_170 = tpu.memref_slice %arg3[%add3A_114] : memref<1600000xf32, #tpu.memory_space<hbm>> -> memref<2000xf32, #tpu.memory_space<hbm>>
    %dma_wait3A_171 = tpu.memref_slice %arg3[%add3A_114] : memref<1600000xf32, #tpu.memory_space<hbm>> -> memref<2000xf32, #tpu.memory_space<hbm>>
    tpu.wait_dma2 semaphore(%arg6 : memref<!tpu.dma_semaphore, #tpu.memory_space<semaphore_mem>>) src(%arg5 : memref<2000xf32, #tpu.memory_space<vmem>>) dst(%dma_wait3A_171 : memref<2000xf32, #tpu.memory_space<hbm>>)
    %dma_wait3A_172 = tpu.memref_slice %arg3[%add3A_118] : memref<1600000xf32, #tpu.memory_space<hbm>> -> memref<2000xf32, #tpu.memory_space<hbm>>
    %dma_wait3A_173 = tpu.memref_slice %arg3[%add3A_118] : memref<1600000xf32, #tpu.memory_space<hbm>> -> memref<2000xf32, #tpu.memory_space<hbm>>
    tpu.wait_dma2 semaphore(%arg6 : memref<!tpu.dma_semaphore, #tpu.memory_space<semaphore_mem>>) src(%arg5 : memref<2000xf32, #tpu.memory_space<vmem>>) dst(%dma_wait3A_173 : memref<2000xf32, #tpu.memory_space<hbm>>)
    %dma_wait3A_174 = tpu.memref_slice %arg3[%add3A_122] : memref<1600000xf32, #tpu.memory_space<hbm>> -> memref<2000xf32, #tpu.memory_space<hbm>>
    %dma_wait3A_175 = tpu.memref_slice %arg3[%add3A_122] : memref<1600000xf32, #tpu.memory_space<hbm>> -> memref<2000xf32, #tpu.memory_space<hbm>>
    tpu.wait_dma2 semaphore(%arg6 : memref<!tpu.dma_semaphore, #tpu.memory_space<semaphore_mem>>) src(%arg5 : memref<2000xf32, #tpu.memory_space<vmem>>) dst(%dma_wait3A_175 : memref<2000xf32, #tpu.memory_space<hbm>>)
    %dma_wait3A_176 = tpu.memref_slice %arg3[%add3A_126] : memref<1600000xf32, #tpu.memory_space<hbm>> -> memref<2000xf32, #tpu.memory_space<hbm>>
    %dma_wait3A_177 = tpu.memref_slice %arg3[%add3A_126] : memref<1600000xf32, #tpu.memory_space<hbm>> -> memref<2000xf32, #tpu.memory_space<hbm>>
    tpu.wait_dma2 semaphore(%arg6 : memref<!tpu.dma_semaphore, #tpu.memory_space<semaphore_mem>>) src(%arg5 : memref<2000xf32, #tpu.memory_space<vmem>>) dst(%dma_wait3A_177 : memref<2000xf32, #tpu.memory_space<hbm>>)
    return
  }
}

module attributes {stable_mosaic.version = 14 : i64} {
  func.func @_edges_kernel(%arg0: i32, %arg1: memref<1xf32, #tpu.memory_space<smem>>, %arg2: memref<2x160000xi32, #tpu.memory_space<vmem>>, %arg3: memref<1xf32, #tpu.memory_space<smem>>, %arg4: memref<2x160000xi32, #tpu.memory_space<vmem>>) attributes {dimension_semantics = [#tpu.dimension_semantics<arbitrary>], iteration_bounds = array<i64: 10>, scalar_prefetch = 0 : i64, scratch_operands = 1 : i64, tpu.core_type = #tpu.core_type<tc>, window_params = [{transform_indices = @transform_0, window_bounds = array<i64: 1>}, {transform_indices = @transform_1, window_bounds = array<i64: 2, 160000>}, {transform_indices = @transform_2, window_bounds = array<i64: 1>}]} {
    %eq3A = arith.constant 0 : i32
    %eq3A_0 = arith.cmpi eq, %arg0, %eq3A : i32
    %convert_element_type3A = arith.extui %eq3A_0 : i1 to i32
    %cond3A = arith.constant 0 : i32
    %cond3A_1 = arith.cmpi ne, %convert_element_type3A, %cond3A : i32
    scf.if %cond3A_1 {
      %iota3A = tpu.iota {dimensions = array<i32: 1>} : vector<2x160000xi32>
      %iota3A_15 = tpu.iota {dimensions = array<i32: 0>} : vector<2x160000xi32>
      %shift_right_arithmetic3A = arith.constant 4 : i32
      %shift_right_arithmetic3A_16 = vector.broadcast %shift_right_arithmetic3A : i32 to vector<2x160000xi32>
      %shift_right_arithmetic3A_17 = arith.shrsi %iota3A, %shift_right_arithmetic3A_16 : vector<2x160000xi32>
      %eq3A_18 = arith.constant 0 : i32
      %eq3A_19 = vector.broadcast %eq3A_18 : i32 to vector<2x160000xi32>
      %eq3A_20 = arith.cmpi eq, %iota3A_15, %eq3A_19 : vector<2x160000xi32>
      %and3A = arith.constant 15 : i32
      %and3A_21 = vector.broadcast %and3A : i32 to vector<2x160000xi32>
      %and3A_22 = arith.andi %iota3A, %and3A_21 : vector<2x160000xi32>
      %add3A_23 = arith.constant 1 : i32
      %add3A_24 = vector.broadcast %add3A_23 : i32 to vector<2x160000xi32>
      %add3A_25 = arith.addi %and3A_22, %add3A_24 : vector<2x160000xi32>
      %jit3A = arith.constant 0 : i32
      %broadcast_in_dim3A = vector.broadcast %jit3A : i32 to vector<2x160000xi32>
      %select_n3A = arith.select %eq3A_20, %broadcast_in_dim3A, %add3A_25 : vector<2x160000xi1>, vector<2x160000xi32>
      %add3A_26 = arith.addi %shift_right_arithmetic3A_17, %select_n3A : vector<2x160000xi32>
      %swap3A = arith.constant 0 : index
      %swap3A_27 = arith.constant 0 : index
      %swap3A_28 = vector.load %arg4[%swap3A, %swap3A_27] : memref<2x160000xi32, #tpu.memory_space<vmem>>, vector<2x160000xi32>
      tpu.vector_store %arg4[%swap3A, %swap3A_27], %add3A_26 {strides = array<i32>} : memref<2x160000xi32, #tpu.memory_space<vmem>>, vector<2x160000xi32>,
      %get3A_29 = arith.constant 0 : index
      %get3A_30 = memref.load %arg1[%get3A_29] : memref<1xf32, #tpu.memory_space<smem>>
      %sub3A = arith.constant -4.79576874 : f32
      %sub3A_31 = arith.subf %get3A_30, %sub3A : f32
      %logistic3A = arith.negf %sub3A_31 : f32
      %logistic3A_32 = math.exp %logistic3A : f32
      %logistic3A_33 = arith.constant 1.000000e+00 : f32
      %logistic3A_34 = arith.addf %logistic3A_33, %logistic3A_32 : f32
      %logistic3A_35 = arith.divf %logistic3A_33, %logistic3A_34 : f32
      %swap3A_36 = arith.constant 0 : index
      %swap3A_37 = memref.load %arg3[%swap3A_36] : memref<1xf32, #tpu.memory_space<smem>>
      memref.store %logistic3A_35, %arg3[%swap3A_36] : memref<1xf32, #tpu.memory_space<smem>>
    } else {
    }
    %get3A = arith.constant 0 : index
    %get3A_2 = arith.constant 0 : index
    %get3A_3 = vector.load %arg4[%get3A, %get3A_2] : memref<2x160000xi32, #tpu.memory_space<vmem>>, vector<2x160000xi32>
    %mul3A = arith.constant 10000 : i32
    %mul3A_4 = arith.muli %arg0, %mul3A : i32
    %add3A = vector.broadcast %mul3A_4 : i32 to vector<2x160000xi32>
    %add3A_5 = arith.addi %get3A_3, %add3A : vector<2x160000xi32>
    %lt3A = arith.constant 9 : i32
    %lt3A_6 = arith.cmpi slt, %arg0, %lt3A : i32
    %convert_element_type3A_7 = arith.extui %lt3A_6 : i1 to i32
    %cond3A_8 = arith.constant 0 : i32
    %cond3A_9 = arith.cmpi ne, %convert_element_type3A_7, %cond3A_8 : i32
    scf.if %cond3A_9 {
      %swap3A = arith.constant 0 : index
      %swap3A_15 = arith.constant 0 : index
      %swap3A_16 = vector.load %arg2[%swap3A, %swap3A_15] : memref<2x160000xi32, #tpu.memory_space<vmem>>, vector<2x160000xi32>
      tpu.vector_store %arg2[%swap3A, %swap3A_15], %add3A_5 {strides = array<i32>} : memref<2x160000xi32, #tpu.memory_space<vmem>>, vector<2x160000xi32>,
    } else {
    }
    %eq3A_10 = arith.constant 9 : i32
    %eq3A_11 = arith.cmpi eq, %arg0, %eq3A_10 : i32
    %convert_element_type3A_12 = arith.extui %eq3A_11 : i1 to i32
    %cond3A_13 = arith.constant 0 : i32
    %cond3A_14 = arith.cmpi ne, %convert_element_type3A_12, %cond3A_13 : i32
    scf.if %cond3A_14 {
      %ge3A = arith.constant 100000 : i32
      %ge3A_15 = vector.broadcast %ge3A : i32 to vector<2x160000xi32>
      %ge3A_16 = arith.cmpi sge, %add3A_5, %ge3A_15 : vector<2x160000xi32>
      %sub3A = arith.constant 100000 : i32
      %sub3A_17 = vector.broadcast %sub3A : i32 to vector<2x160000xi32>
      %sub3A_18 = arith.subi %add3A_5, %sub3A_17 : vector<2x160000xi32>
      %select_n3A = arith.select %ge3A_16, %sub3A_18, %add3A_5 : vector<2x160000xi1>, vector<2x160000xi32>
      %swap3A = arith.constant 0 : index
      %swap3A_19 = arith.constant 0 : index
      %swap3A_20 = vector.load %arg2[%swap3A, %swap3A_19] : memref<2x160000xi32, #tpu.memory_space<vmem>>, vector<2x160000xi32>
      tpu.vector_store %arg2[%swap3A, %swap3A_19], %select_n3A {strides = array<i32>} : memref<2x160000xi32, #tpu.memory_space<vmem>>, vector<2x160000xi32>,
    } else {
    }
    return
  }
  func.func @transform_0(%arg0: i32) -> i32 {
    %c0_i32 = arith.constant 0 : i32
    %c0_i32_0 = arith.constant 0 : i32
    return %c0_i32 : i32
  }
  func.func @transform_1(%arg0: i32) -> (i32, i32) {
    %c0_i32 = arith.constant 0 : i32
    %c0_i32_0 = arith.constant 0 : i32
    return %c0_i32, %arg0 : i32, i32
  }
  func.func @transform_2(%arg0: i32) -> i32 {
    %c0_i32 = arith.constant 0 : i32
    %c0_i32_0 = arith.constant 0 : i32
    return %c0_i32 : i32
  }
}

</mosaic_0001>

<sc_bundles>
// kernel: kernel.4.cloned.1.call-start
scs
__scs_entry_jumppad:
0x0: {  	(pc) =	sbr.rel $0x88, $3  }
0x1: {  	(tag) =	ssettag $0x0;
	lr =	simm.s32 $0x1  }
0x2: {  	[smem:$0x3FA0] =	sst lr;
	_ =	strace $0xD0000000  }
0x3: {  	_ = 	snop  }
0x4: {  	_ = 	snop  }
0x5: {  	_ = 	snop  }
0x6: {  	_ = 	snop  }
0x7: {  	_ = 	snop  }
__scs_overlays_trampoline_lowered:
0x8: {  	[smem:$0x3FAF] =	sst s0  }
0x9: {  	[smem:$0x3FB0] =	sst s1  }
0xa: {  	[smem:$0x3FB1] =	sst s2  }
0xb: {  	[smem:$0x3FB2] =	sst s3  }
0xc: {  	[smem:$0x3FB3] =	sst s4  }
0xd: {  	[smem:$0x3FB4] =	sst s5  }
0xe: {  	[smem:$0x3FB5] =	sst s6  }
0xf: {  	[smem:$0x3FB6] =	sst s7  }
0x10: {  	[smem:$0x3FB7] =	sst s8  }
0x11: {  	[smem:$0x3FB8] =	sst s9;
	s0 =	simm.s32 @!p0 $0x0  }
0x12: {  	s1 =	sld [smem:$0x3F9E];
	s0 =	simm.s32 @p0 $0x1  }
0x13: {  	[smem:$0x3FB9] =	sst s0;
	s0 =	simm.s32 @!p1 $0x0  }
0x14: {  	s2 =	sld [smem:$0x3F9D];
	s0 =	simm.s32 @p1 $0x1  }
0x15: {  	[smem:$0x3FBA] =	sst s0;
	s0 =	simm.s32 @!p2 $0x0  }
0x16: {  	s3 =	sld [smem:$0x3FDB];
	s0 =	simm.s32 @p2 $0x1  }
0x17: {  	s4 =	simm.s32 $0x1BF5;
	[smem:$0x3FBC] =	sst s0  }
0x18: {  	s0 =	sld [smem:$0x3F9F];
	_ =	swait.ge [sflag:s4], $0x0  }
0x19: {  	s7 =	sld [smem:$0x3FA0]  }
0x1a: {  	s8 =	sadd.s32 $0xFFFFE003, lr  }
0x1b: {  	s9 =	sadd.s32 $0xFFFFFEF7, lr;
	s5 =	simm.s32 $0xFFFFFFFF;
	p2 =	slt.u32 s8, $0xFFFFF086  }
0x1c: {  	p1 =	slt.u32 s9, $0xF7A;
	s5 =	simm.s32 @!p2 $0x0  }
0x1d: {  	s5 =	simm.s32 @p1 $0x1;
	p0 =	seq.s32 s7, s2  }
0x1e: {  	s7 =	smul.u32 @!p0 $0xF7A, s2;
	p2 =	seq.s32 @!p0 s5, $0x0  }
0x1f: {  	s9 =	smul.u32 $0xF7A, s1;
	s8 =	simm.s32 @!p0 $0x1BF5;
	p2 =	por !p2, p0  }
0x20: {  	[sflag:s8] =	ssyncset.s32 @!p0 $0xFFFFF086;
	s6 =	sadd.s32 @!p0 s3, s7;
	s7 =	simm.s32 @!p0 $0x108  }
0x21: {  	s3 =	sadd.s32 s3, s9;
	s6 =	sadd.s32 @!p0 $0x88, s6;
	s7 =	simm.s32 @p2 $0x1082  }
0x22: {  	[simem:s7], [sflag:s8] =	dma.local @!p0 [hbm:s6], $0xF7A  }
0x23: {  	s9 =	sor.u32 $0xD0000000, s2;
	s6 =	simm.s32 $0x108;
	_ =	swait.ge @!p0 [sflag:s8], $0x0  }
0x24: {  	s3 =	sadd.s32 $0x88, s3;
	s6 =	simm.s32 @!p1 $0x1082;
	[sflag:s4] =	ssyncset.s32 $0xFFFFF086  }
0x25: {  	[simem:s6], [sflag:s4] =	dma.local [hbm:s3], $0xF7A  }
0x26: {  	[smem:$0x3FA0] =	sst s1;
	(tag) =	ssettag s2;
	_ =	strace s9  }
0x27: {  	s1 =	sld [smem:$0x3FB0]  }
0x28: {  	s2 =	sld [smem:$0x3FB1]  }
0x29: {  	s4 =	sld [smem:$0x3FB3]  }
0x2a: {  	p0 =	seq.s32 s5, $0x0;
	s5 =	sld [smem:$0x3FB4]  }
0x2b: {  	s6 =	sld [smem:$0x3FB5]  }
0x2c: {  	s7 =	sld [smem:$0x3FB6]  }
0x2d: {  	s3 =	simm.s32 $0x108;
	s8 =	sld [smem:$0x3FB7]  }
0x2e: {  	s3 =	simm.s32 @!p0 $0x1082;
	s9 =	sld [smem:$0x3FB8]  }
0x2f: {  	lr =	sadd.s32 s0, s3;
	s0 =	sld [smem:$0x3FAF]  }
0x30: {  	s3 =	sld [smem:$0x3FB2]  }
0x31: {  	[smem:$0x3FBB] =	sst s10  }
0x32: {  	s10 =	sld [smem:$0x3FB9];
	_ =	sdelay $0x3  }
0x33: {  	p0 =	seq.s32 s10, $0x1;
	s10 =	sld [smem:$0x3FBB];
	_ =	sdelay $0x3  }
0x34: {  	[smem:$0x3FBB] =	sst s10  }
0x35: {  	s10 =	sld [smem:$0x3FBA];
	_ =	sdelay $0x3  }
0x36: {  	p1 =	seq.s32 s10, $0x1;
	s10 =	sld [smem:$0x3FBB];
	_ =	sdelay $0x3  }
0x37: {  	[smem:$0x3FBB] =	sst s10  }
0x38: {  	s10 =	sld [smem:$0x3FBC]  }
0x39: {  	_ = 	snop;
	(pc) =	sbr.ind lr, $3  }
0x3a: {  	_ = 	snop  }
0x3b: {  	_ = 	snop  }
0x3c: {  	p2 =	seq.s32 s10, $0x1;
	s10 =	sld [smem:$0x3FBB]  }
0x3d: {  	_ =	shalt  }
0x3e: {  	_ =	shalt  }
0x3f: {  	_ =	shalt  }
0x40: {  	_ =	shalt  }
0x41: {  	_ =	shalt  }
0x42: {  	_ =	shalt  }
0x43: {  	_ =	shalt  }
0x44: {  	_ =	shalt  }
0x45: {  	_ =	shalt  }
0x46: {  	_ =	shalt  }
0x47: {  	_ =	shalt  }
0x48: {  	_ =	shalt  }
0x49: {  	_ =	shalt  }
0x4a: {  	_ =	shalt  }
0x4b: {  	_ =	shalt  }
0x4c: {  	_ =	shalt  }
0x4d: {  	_ =	shalt  }
0x4e: {  	_ =	shalt  }
0x4f: {  	_ =	shalt  }
0x50: {  	_ =	shalt  }
0x51: {  	_ =	shalt  }
0x52: {  	_ =	shalt  }
0x53: {  	_ =	shalt  }
0x54: {  	_ =	shalt  }
0x55: {  	_ =	shalt  }
0x56: {  	_ =	shalt  }
0x57: {  	_ =	shalt  }
0x58: {  	_ =	shalt  }
0x59: {  	_ =	shalt  }
0x5a: {  	_ =	shalt  }
0x5b: {  	_ =	shalt  }
0x5c: {  	_ =	shalt  }
0x5d: {  	_ =	shalt  }
0x5e: {  	_ =	shalt  }
0x5f: {  	_ =	shalt  }
0x60: {  	_ =	shalt  }
0x61: {  	_ =	shalt  }
0x62: {  	_ =	shalt  }
0x63: {  	_ =	shalt  }
0x64: {  	_ =	shalt  }
0x65: {  	_ =	shalt  }
0x66: {  	_ =	shalt  }
0x67: {  	_ =	shalt  }
0x68: {  	_ =	shalt  }
0x69: {  	_ =	shalt  }
0x6a: {  	_ =	shalt  }
0x6b: {  	_ =	shalt  }
0x6c: {  	_ =	shalt  }
0x6d: {  	_ =	shalt  }
0x6e: {  	_ =	shalt  }
0x6f: {  	_ =	shalt  }
0x70: {  	_ =	shalt  }
0x71: {  	_ =	shalt  }
0x72: {  	_ =	shalt  }
0x73: {  	_ =	shalt  }
0x74: {  	_ =	shalt  }
0x75: {  	_ =	shalt  }
0x76: {  	_ =	shalt  }
0x77: {  	_ =	shalt  }
0x78: {  	_ =	shalt  }
0x79: {  	_ =	shalt  }
0x7a: {  	_ =	shalt  }
0x7b: {  	_ =	shalt  }
0x7c: {  	_ =	shalt  }
0x7d: {  	_ =	shalt  }
0x7e: {  	_ =	shalt  }
0x7f: {  	_ =	shalt  }
0x80: {  	_ =	shalt  }
0x81: {  	_ =	shalt  }
0x82: {  	_ =	shalt  }
0x83: {  	_ =	shalt  }
0x84: {  	_ =	shalt  }
0x85: {  	_ =	shalt  }
0x86: {  	_ =	shalt  }
0x87: {  	_ =	shalt  }
.Lfunc_end0:
.L_simem_size_0:
called_computation_lowered:
.L_overlay_start_0:
0x88: {  	s2 =	sld [smem:$0x3FD9]  }
0x89: {  	s3 =	sld [smem:$0x3FFE];
	_ =	sdelay $0x1  }
0x8a: {  	s1 =	srdreg.scid  }
0x8b: {  	s0 =	sand.u32 $0x1, s1  }
0x8c: {  	s14 =	sshll.u32 s0, $0xA;
	s2 =	sadd.s32 s3, s2  }
0x8d: {  	s2 =	sadd.s32 s2, s14  }
0x8e: {  	[smem:$0x3FC7] =	sst s2  }
0x8f: {  	_ = 	snop  }
0x90: {  	s2 =	sld [smem:$0x3FD0];
	_ =	sdelay $0x2  }
0x91: {  	s15 =	simm.s32 $0xA;
	s4 =	simm.s32 $0x10  }
0x92: {  	[smem:s4], [sflag:s15] =	dma.local [hbm:s2], $0x1  }
0x93: {  	_ =	swait.eq [sflag:s15], $0x1  }
0x94: {  	[sflag:s15] =	ssyncset.done $0x0  }
0x95: {  	[sflag:s15] =	ssyncadd.s32 $0xFFFFFFFF  }
0x96: {  	s16 =	sld [smem:$0x11];
	(tm) =	ssettm $0x1  }
0x97: {  	s17 =	sld [smem:$0x3FFB];
	_ =	sdelay $0x3  }
0x98: {  	_ =	strace s17  }
0x99: {  	s3 =	sld [smem:$0x3FFC];
	_ =	sdelay $0x3  }
0x9a: {  	_ =	strace s3  }
0x9b: {  	s3 =	sld [smem:$0x3FFD];
	_ =	sdelay $0x3  }
0x9c: {  	_ =	strace s3  }
0x9d: {  	_ =	strace $0x8FFFFFFF  }
0x9e: {  	s18 =	sld [smem:$0x3FDB];
	_ =	sdelay $0x1  }
0x9f: {  	s19 =	simm.s32 $_scs_section_size  }
0xa0: {  	s5 =	simm.s32 $_size__tile_overlayer_lowered;
	s6 =	simm.s32 $_tile_overlayer_lowered  }
0xa1: {  	s22 =	simm.s32 $0x1BFF;
	s21 =	sshll.u32 s6, $0x1;
	s3 =	sadd.s32 s19, s18  }
0xa2: {  	s7 =	simm.s32 $0x0;
	s20 =	sshll.u32 s5, $0x1;
	s5 =	sadd.s32 s21, s3  }
0xa3: {  	[timem:s7], [sflag:s22] =	dma.local [hbm:s5], s20  }
0xa4: {  	_ =	swait.ge [sflag:s22], s20  }
0xa5: {  	s4 =	ssub.s32 $0x0, s20;
	[sflag:s22] =	ssyncset.done $0x0  }
0xa6: {  	[sflag:s22] =	ssyncadd.s32 s4;
	_ =	sdelay $0x1  }
0xa7: {  	s23 =	simm.s32 $0x1B8B  }
0xa8: {  	_ =	swait.ge [sflag:s23], $0x1  }
0xa9: {  	[sflag:s23] =	ssyncset.done $0x0  }
0xaa: {  	s25 =	simm.s32 $0x1B8E;
	s24 =	sld [smem:$0x3FFE];
	[sflag:s23] =	ssyncadd.s32 $0xFFFFFFFF  }
0xab: {  	s26 =	simm.s32 $execute0_lowered;
	[smem:$0x3FD2] =	sst s25  }
0xac: {  	s5 =	sshll.u32 s26, $0x1;
	_ =	strace $0x80000046;
	[dreg:$0x1] =	wrdreg $0xFFFFFFFF  }
0xad: {  	s28 =	simm.s32 $_size_execute0_lowered;
	s3 =	sadd.s32 s3, s5;
	[dreg:$0x0] =	wrdreg $0x0  }
0xae: {  	s5 =	sshll.u32 s28, $0x1;
	[dreg:$0x2] =	wrdreg s3  }
0xaf: {  	[dreg:$0x3] =	wrdreg s5  }
0xb0: {  	[dreg:$0x4] =	wrdreg $0xC0  }
0xb1: {  	_ =	task [dreg:s7], $0x5FFFF  }
0xb2: {  	[dreg:$0x1] =	wrdreg $0xFFFFFFFF  }
0xb3: {  	[dreg:$0x0] =	wrdreg $0x60  }
0xb4: {  	[dreg:$0x2] =	wrdreg s24  }
0xb5: {  	[dreg:$0x3] =	wrdreg s16  }
0xb6: {  	[dreg:$0x4] =	wrdreg $0x9  }
0xb7: {  	_ =	task.clear_ibuf [dreg:s7], $0x5FFFF;
	_ =	strace $0x90000046  }
0xb8: {  	s29 =	simm.s32 $0x9;
	_ =	strace $0x80000048  }
0xb9: {  	_ =	swait.ge [sflag:s29], $0x1  }
0xba: {  	[sflag:s29] =	ssyncadd.s32 $0xFFFFFFFF  }
0xbb: {  	_ =	strace $0x90000048  }
0xbc: {  	_ =	sfence  }
0xbd: {  	s30 =	sld [smem:$0x0];
	_ =	sdelay $0x2  }
0xbe: {  	s31 =	sshll.u32 s1, $0xD;
	s1 =	sshrl.u32 s1, $0x2  }
0xbf: {  	s3 =	sand.u32 $0x4000, s31;
	s1 =	sadd.s32 s1, s30  }
0xc0: {  	s0 =	sor.u32 s3, s0;
	s1 =	sshll.u32 s1, $0x11  }
0xc1: {  	s0 =	sor.u32 s1, s0  }
0xc2: {  	s0 =	sadd.s32 $0x8F2B, s0  }
0xc3: {  	[sflag:s0] =	ssyncadd.remote.s32 $0x1  }
0xc4: {  	_ =	sfence.sel $0xFFFF  }
0xc5: {  	[dreg:$0x0] =	wrdreg $0xFFFFFFFF;
	(pc) =	sbr.abs _section_cstart, $3  }
0xc6: {  	[dreg:$0x1] =	wrdreg $0xFFFFFFFF  }
0xc7: {  	_ =	task.clear_ibuf [dreg:s7], $0x2FFFF;
	_ =	strace $0x9FFFFFFF  }
0xc8: {  	(tm) =	ssettm $0x7FFFFFFF  }
0xc9: {  	_ =	shalt  }
tec
execute0_lowered:
.L_overlay_start_1:
0x0: {  	(tag) =	ssettag $0x1  }
0x1: {  	s0 =	srdreg.scid;
	s2 =	stileid.u32  }
0x2: {  	s1 =	rddreg [dreg:$0x0];
	s0 =	sand.u32 $0x1, s0;
	s2 =	sshll.u32 s2, $0x1  }
0x3: {  	s3 =	rddreg [dreg:$0x1];
	s31 =	simm.s32 $0x2;
	s4 =	sor.u32 s0, s2  }
0x4: {  	s2 =	simm.s32 $0x0;
	s0 =	ssub.s32 $0x2, s0;
	s4 =	smul.u32 $0xC350, s4  }
0x5: {  	s1 =	sadd.s32 $0x800, s1;
	[smem:$0x7FF] =	sst s2;
	s23 =	sshrl.u32 s0, $0x1  }
0x6: {  	_ =	strace $0x80000047;
	[dreg:$0x3] =	wrdreg s1;
	s4 =	sshrl.u32 s4, $0x3  }
0x7: {  	v0 =	vimm.f32 $2.000000000e+00;
	s0 =	ssub.s32 s0, s23;
	s1 =	simm.s32 $0x80;
	s4 =	sadd.s32 s3, s4  }
0x8: {  	(erf) = vrcp.f32 v0;
	s3 =	simm.s32 $0x0;
	s24 =	sadd.s32 $0xFA, s4;
	s25 =	sadd.s32 $0x1F4, s4  }
0x9: {  	s26 =	sadd.s32 $0x2EE, s4;
	s8 =	sadd.s32 $0x3E8, s4;
	s9 =	sadd.s32 $0x4E2, s4  }
0xa: {  	s10 =	sadd.s32 $0x5DC, s4;
	s11 =	sadd.s32 $0x6D6, s4;
	s12 =	sadd.s32 $0x7D0, s4  }
0xb: {  	s13 =	sadd.s32 $0x8CA, s4;
	s14 =	sadd.s32 $0x9C4, s4;
	s15 =	sadd.s32 $0xABE, s4  }
0xc: {  	s16 =	sadd.s32 $0xBB8, s4;
	s17 =	sadd.s32 $0xCB2, s4;
	s18 =	sadd.s32 $0xDAC, s4  }
0xd: {  	s19 =	sadd.s32 $0xEA6, s4;
	s20 =	sadd.s32 $0xFA0, s4;
	s21 =	sadd.s32 $0x109A, s4  }
0xe: {  	s22 =	sadd.s32 $0x1194, s4;
	s23 =	sadd.s32 $0x128E, s4;
	[dreg:$0x4] =	wrdreg s24  }
0xf: {  	s28 =	sadd.s32 $0x157C, s4;
	s29 =	sadd.s32 $0x1676, s4;
	[dreg:$0x5] =	wrdreg s25  }
0x10: {  	s30 =	sadd.s32 $0x1770, s4;
	[dreg:$0x6] =	wrdreg s26;
	s24 =	sadd.s32 $0x1388, s4  }
0x11: {  	s25 =	smax.u32 s0, $0x1;
	s26 =	sadd.s32 $0x1482, s4;
	s0 =	simm.s32 $0x1;
	v0 =	vpop (erf)  }
.LBB2_1:
0x12: {  	s5 =	rddreg [dreg:$0x3]  }
0x13: {  	[tilespmem:s2], [sflag:$0x2] =	stream.linear.gather [hbm4b:s5+s2], $0x80, $0x38;
	[tilespmem:$0x880] =	vst v63  }
0x14: {  	_ =	swait.ge [sflag:s31], $0x80  }
0x15: {  	[sflag:s31] =	ssyncset.done $0x0  }
0x16: {  	[sflag:s31] =	ssyncadd.s32 $0xFFFFFF80  }
0x17: {  	v1 =	vld [tilespmem:$0x0];
	_ =	sdelay $0x4  }
0x18: {  	v1 =	vsub.f32 $0.0e+00, v1;
	_ =	sdelay $0x1  }
0x19: {  	v1 =	vmul.f32 v1, v0;
	_ =	sdelay $0x1  }
0x1a: {  	v1 =	vmul.f32 $1.442695020e+00, v1;
	_ =	sdelay $0x1  }
0x1b: {  	(erf) = vpow2.f32 v1;
	_ =	sdelay $0x8  }
0x1c: {  	v1 =	vpop (erf)  }
0x1d: {  	v1 =	vadd.f32 $1.000000000e+00, v1;
	_ =	sdelay $0x1  }
0x1e: {  	(erf) = vrcp.f32 v1;
	_ =	sdelay $0x8  }
0x1f: {  	v1 =	vpop (erf)  }
0x20: {  	v1 =	vmul.f32 $1.200000050e+00, v1;
	_ =	sdelay $0x1  }
0x21: {  	v1 =	vadd.f32 $-1.000000010e-01, v1;
	_ =	sdelay $0x1  }
0x22: {  	v1 =	vmax.f32 v1, $0.0e+00  }
0x23: {  	s6 =	simm.s32 $0x140;
	s5 =	simm.s32 $0x0;
	v1 =	vmin.f32 v1, $1.000000000e+00  }
.LBB2_2:
0x24: {  	p0 =	sne.s32 s6, $0x1E00;
	[tilespmem:s5+$0xC0] =	vst v1;
	s7 =	smov.u32 s6;
	s6 =	sadd.s32 $0x140, s6  }
.Ltmp0:
0x25: {  	[tilespmem:s5+$0xB0] =	vst v1;
	(pc) =	sbr.rel @p0 .LBB2_2-.Ltmp0, $4  }
0x26: {  	[tilespmem:s5+$0xA0] =	vst v1  }
0x27: {  	[tilespmem:s5+$0x80] =	vst v1  }
0x28: {  	[tilespmem:s5+$0x90] =	vst v1  }
0x29: {  	s5 =	sshra.s32 s7, $0x2  }
0x2a: {  	[tilespmem:s5+$0xC0] =	vst v1  }
0x2b: {  	[tilespmem:s5+$0xB0] =	vst v1  }
0x2c: {  	[tilespmem:s5+$0xA0] =	vst v1  }
0x2d: {  	[tilespmem:s5+$0x80] =	vst v1  }
0x2e: {  	[tilespmem:s5+$0x90] =	vst v1  }
0x2f: {  	[hbm4b:s4+s2] =	stream.linear.scatter [tilespmem:s1], [sflag:$0x1], $0x7D0, $0x38;
	[tilespmem:$0x880] =	vst v63  }
0x30: {  	s7 =	rddreg [dreg:$0x4]  }
0x31: {  	[hbm4b:s7+s2] =	stream.linear.scatter [tilespmem:s1], [sflag:$0x1], $0x7D0, $0x38;
	[tilespmem:$0x880] =	vst v63  }
0x32: {  	s6 =	rddreg [dreg:$0x5]  }
0x33: {  	[hbm4b:s6+s2] =	stream.linear.scatter [tilespmem:s1], [sflag:$0x1], $0x7D0, $0x38;
	[tilespmem:$0x880] =	vst v63  }
0x34: {  	s7 =	rddreg [dreg:$0x6]  }
0x35: {  	[hbm4b:s7+s2] =	stream.linear.scatter [tilespmem:s1], [sflag:$0x1], $0x7D0, $0x38;
	[tilespmem:$0x880] =	vst v63  }
0x36: {  	_ = 	snop  }
0x37: {  	[hbm4b:s8+s2] =	stream.linear.scatter [tilespmem:s1], [sflag:$0x1], $0x7D0, $0x38;
	[tilespmem:$0x880] =	vst v63  }
0x38: {  	_ = 	snop  }
0x39: {  	[hbm4b:s9+s2] =	stream.linear.scatter [tilespmem:s1], [sflag:$0x1], $0x7D0, $0x38;
	[tilespmem:$0x880] =	vst v63  }
0x3a: {  	_ = 	snop  }
0x3b: {  	[hbm4b:s10+s2] =	stream.linear.scatter [tilespmem:s1], [sflag:$0x1], $0x7D0, $0x38;
	[tilespmem:$0x880] =	vst v63  }
0x3c: {  	_ = 	snop  }
0x3d: {  	[hbm4b:s11+s2] =	stream.linear.scatter [tilespmem:s1], [sflag:$0x1], $0x7D0, $0x38;
	[tilespmem:$0x880] =	vst v63  }
0x3e: {  	_ = 	snop  }
0x3f: {  	[hbm4b:s12+s2] =	stream.linear.scatter [tilespmem:s1], [sflag:$0x1], $0x7D0, $0x38;
	[tilespmem:$0x880] =	vst v63  }
0x40: {  	_ = 	snop  }
0x41: {  	[hbm4b:s13+s2] =	stream.linear.scatter [tilespmem:s1], [sflag:$0x1], $0x7D0, $0x38;
	[tilespmem:$0x880] =	vst v63  }
0x42: {  	_ = 	snop  }
0x43: {  	[hbm4b:s14+s2] =	stream.linear.scatter [tilespmem:s1], [sflag:$0x1], $0x7D0, $0x38;
	[tilespmem:$0x880] =	vst v63  }
0x44: {  	_ = 	snop  }
0x45: {  	[hbm4b:s15+s2] =	stream.linear.scatter [tilespmem:s1], [sflag:$0x1], $0x7D0, $0x38;
	[tilespmem:$0x880] =	vst v63  }
0x46: {  	_ = 	snop  }
0x47: {  	[hbm4b:s16+s2] =	stream.linear.scatter [tilespmem:s1], [sflag:$0x1], $0x7D0, $0x38;
	[tilespmem:$0x880] =	vst v63  }
0x48: {  	_ = 	snop  }
0x49: {  	[hbm4b:s17+s2] =	stream.linear.scatter [tilespmem:s1], [sflag:$0x1], $0x7D0, $0x38;
	[tilespmem:$0x880] =	vst v63  }
0x4a: {  	_ = 	snop  }
0x4b: {  	[hbm4b:s18+s2] =	stream.linear.scatter [tilespmem:s1], [sflag:$0x1], $0x7D0, $0x38;
	[tilespmem:$0x880] =	vst v63  }
0x4c: {  	_ = 	snop  }
0x4d: {  	[hbm4b:s19+s2] =	stream.linear.scatter [tilespmem:s1], [sflag:$0x1], $0x7D0, $0x38;
	[tilespmem:$0x880] =	vst v63  }
0x4e: {  	_ = 	snop  }
0x4f: {  	[hbm4b:s20+s2] =	stream.linear.scatter [tilespmem:s1], [sflag:$0x1], $0x7D0, $0x38;
	[tilespmem:$0x880] =	vst v63  }
0x50: {  	_ = 	snop  }
0x51: {  	[hbm4b:s21+s2] =	stream.linear.scatter [tilespmem:s1], [sflag:$0x1], $0x7D0, $0x38;
	[tilespmem:$0x880] =	vst v63  }
0x52: {  	_ = 	snop  }
0x53: {  	[hbm4b:s22+s2] =	stream.linear.scatter [tilespmem:s1], [sflag:$0x1], $0x7D0, $0x38;
	[tilespmem:$0x880] =	vst v63  }
0x54: {  	_ = 	snop  }
0x55: {  	[hbm4b:s23+s2] =	stream.linear.scatter [tilespmem:s1], [sflag:$0x1], $0x7D0, $0x38;
	[tilespmem:$0x880] =	vst v63  }
0x56: {  	_ = 	snop  }
0x57: {  	[hbm4b:s24+s2] =	stream.linear.scatter [tilespmem:s1], [sflag:$0x1], $0x7D0, $0x38;
	[tilespmem:$0x880] =	vst v63  }
0x58: {  	_ = 	snop  }
0x59: {  	[hbm4b:s26+s2] =	stream.linear.scatter [tilespmem:s1], [sflag:$0x1], $0x7D0, $0x38;
	[tilespmem:$0x880] =	vst v63  }
0x5a: {  	_ = 	snop  }
0x5b: {  	[hbm4b:s28+s2] =	stream.linear.scatter [tilespmem:s1], [sflag:$0x1], $0x7D0, $0x38;
	[tilespmem:$0x880] =	vst v63  }
0x5c: {  	_ = 	snop  }
0x5d: {  	[hbm4b:s29+s2] =	stream.linear.scatter [tilespmem:s1], [sflag:$0x1], $0x7D0, $0x38;
	[tilespmem:$0x880] =	vst v63  }
0x5e: {  	_ = 	snop  }
0x5f: {  	[hbm4b:s30+s2] =	stream.linear.scatter [tilespmem:s1], [sflag:$0x1], $0x7D0, $0x38;
	[tilespmem:$0x880] =	vst v63  }
0x60: {  	_ =	swait.ge [sflag:s0], $0x7D0  }
0x61: {  	[sflag:s0] =	ssyncset.done $0x0  }
0x62: {  	[sflag:s0] =	ssyncadd.s32 $0xFFFFF830  }
0x63: {  	_ =	swait.ge [sflag:s0], $0x7D0  }
0x64: {  	[sflag:s0] =	ssyncset.done $0x0  }
0x65: {  	[sflag:s0] =	ssyncadd.s32 $0xFFFFF830  }
0x66: {  	_ =	swait.ge [sflag:s0], $0x7D0  }
0x67: {  	[sflag:s0] =	ssyncset.done $0x0  }
0x68: {  	[sflag:s0] =	ssyncadd.s32 $0xFFFFF830  }
0x69: {  	_ =	swait.ge [sflag:s0], $0x7D0  }
0x6a: {  	[sflag:s0] =	ssyncset.done $0x0  }
0x6b: {  	[sflag:s0] =	ssyncadd.s32 $0xFFFFF830  }
0x6c: {  	_ =	swait.ge [sflag:s0], $0x7D0  }
0x6d: {  	[sflag:s0] =	ssyncset.done $0x0  }
0x6e: {  	[sflag:s0] =	ssyncadd.s32 $0xFFFFF830  }
0x6f: {  	_ =	swait.ge [sflag:s0], $0x7D0  }
0x70: {  	[sflag:s0] =	ssyncset.done $0x0  }
0x71: {  	[sflag:s0] =	ssyncadd.s32 $0xFFFFF830  }
0x72: {  	_ =	swait.ge [sflag:s0], $0x7D0  }
0x73: {  	[sflag:s0] =	ssyncset.done $0x0  }
0x74: {  	[sflag:s0] =	ssyncadd.s32 $0xFFFFF830  }
0x75: {  	_ =	swait.ge [sflag:s0], $0x7D0  }
0x76: {  	[sflag:s0] =	ssyncset.done $0x0  }
0x77: {  	[sflag:s0] =	ssyncadd.s32 $0xFFFFF830  }
0x78: {  	_ =	swait.ge [sflag:s0], $0x7D0  }
0x79: {  	[sflag:s0] =	ssyncset.done $0x0  }
0x7a: {  	[sflag:s0] =	ssyncadd.s32 $0xFFFFF830  }
0x7b: {  	_ =	swait.ge [sflag:s0], $0x7D0  }
0x7c: {  	[sflag:s0] =	ssyncset.done $0x0  }
0x7d: {  	[sflag:s0] =	ssyncadd.s32 $0xFFFFF830  }
0x7e: {  	_ =	swait.ge [sflag:s0], $0x7D0  }
0x7f: {  	[sflag:s0] =	ssyncset.done $0x0  }
0x80: {  	[sflag:s0] =	ssyncadd.s32 $0xFFFFF830  }
0x81: {  	_ =	swait.ge [sflag:s0], $0x7D0  }
0x82: {  	[sflag:s0] =	ssyncset.done $0x0  }
0x83: {  	[sflag:s0] =	ssyncadd.s32 $0xFFFFF830  }
0x84: {  	_ =	swait.ge [sflag:s0], $0x7D0  }
0x85: {  	[sflag:s0] =	ssyncset.done $0x0  }
0x86: {  	[sflag:s0] =	ssyncadd.s32 $0xFFFFF830  }
0x87: {  	_ =	swait.ge [sflag:s0], $0x7D0  }
0x88: {  	[sflag:s0] =	ssyncset.done $0x0  }
0x89: {  	[sflag:s0] =	ssyncadd.s32 $0xFFFFF830  }
0x8a: {  	_ =	swait.ge [sflag:s0], $0x7D0  }
0x8b: {  	[sflag:s0] =	ssyncset.done $0x0  }
0x8c: {  	[sflag:s0] =	ssyncadd.s32 $0xFFFFF830  }
0x8d: {  	_ =	swait.ge [sflag:s0], $0x7D0  }
0x8e: {  	[sflag:s0] =	ssyncset.done $0x0  }
0x8f: {  	[sflag:s0] =	ssyncadd.s32 $0xFFFFF830  }
0x90: {  	_ =	swait.ge [sflag:s0], $0x7D0  }
0x91: {  	[sflag:s0] =	ssyncset.done $0x0  }
0x92: {  	[sflag:s0] =	ssyncadd.s32 $0xFFFFF830  }
0x93: {  	_ =	swait.ge [sflag:s0], $0x7D0  }
0x94: {  	[sflag:s0] =	ssyncset.done $0x0  }
0x95: {  	[sflag:s0] =	ssyncadd.s32 $0xFFFFF830  }
0x96: {  	_ =	swait.ge [sflag:s0], $0x7D0  }
0x97: {  	[sflag:s0] =	ssyncset.done $0x0  }
0x98: {  	[sflag:s0] =	ssyncadd.s32 $0xFFFFF830  }
0x99: {  	_ =	swait.ge [sflag:s0], $0x7D0  }
0x9a: {  	[sflag:s0] =	ssyncset.done $0x0  }
0x9b: {  	[sflag:s0] =	ssyncadd.s32 $0xFFFFF830  }
0x9c: {  	_ =	swait.ge [sflag:s0], $0x7D0  }
0x9d: {  	[sflag:s0] =	ssyncset.done $0x0  }
0x9e: {  	[sflag:s0] =	ssyncadd.s32 $0xFFFFF830  }
0x9f: {  	_ =	swait.ge [sflag:s0], $0x7D0  }
0xa0: {  	[sflag:s0] =	ssyncset.done $0x0  }
0xa1: {  	[sflag:s0] =	ssyncadd.s32 $0xFFFFF830  }
0xa2: {  	_ =	swait.ge [sflag:s0], $0x7D0  }
0xa3: {  	[sflag:s0] =	ssyncset.done $0x0  }
0xa4: {  	s3 =	sadd.s32 $0x1, s3;
	[sflag:s0] =	ssyncadd.s32 $0xFFFFF830  }
0xa5: {  	p0 =	sne.s32 s3, s25;
	_ =	swait.ge [sflag:s0], $0x7D0  }
.Ltmp1:
0xa6: {  	[sflag:s0] =	ssyncset.done $0x0;
	(pc) =	sbr.rel @p0 .LBB2_1-.Ltmp1, $4  }
0xa7: {  	[sflag:s0] =	ssyncadd.s32 $0xFFFFF830  }
0xa8: {  	_ =	swait.ge [sflag:s0], $0x7D0  }
0xa9: {  	[sflag:s0] =	ssyncset.done $0x0  }
0xaa: {  	[sflag:s0] =	ssyncadd.s32 $0xFFFFF830  }
0xab: {  	_ =	sfence.sel $0x180000  }
0xac: {  	[bflag:$0x0] =	sbarrier.arrive $0xFFFF  }
0xad: {  	_ =	strace $0x90000047  }
0xae: {  	s0 =	stileid.u32;
	[bflag:$0x2] =	sbarrier.arrive $0xFFFF  }
0xaf: {  	p0 =	sne.s32 s0, $0x0;
	s0 =	rddreg [dreg:$0x2]  }
0xb0: {  	s0 =	sadd.s32 @!p0 $0x100000, s0  }
0xb1: {  	[sflag:s0] =	ssyncadd.tile.s32 @!p0 $0x1;
	_ =	shalt  }
.Lfunc_end2:
_tile_overlayer_lowered:
.L_overlay_start_2:
0xb2: {  	(tag) =	ssettag $0x2  }
0xb3: {  	s0 =	rddreg [dreg:$0x0];
	s2 =	stileid.u32  }
0xb4: {  	s1 =	rddreg [dreg:$0x1];
	p0 =	sne.s32 s2, $0x0  }
0xb5: {  	s3 =	rddreg [dreg:$0x2];
	[bflag:$0x3] =	sbarrier.arrive $0xFFFF;
	s2 =	simm.s32 @!p0 $0x1C02  }
0xb6: {  	[timem:s3], [sflag:s2] =	dma.local @!p0 [hbm:s0], s1  }
0xb7: {  	s0 =	simm.s32 @!p0 $0x2  }
0xb8: {  	_ =	swait.ge @!p0 [sflag:s0], s1  }
0xb9: {  	s1 =	ssub.s32 @!p0 $0x0, s1;
	[sflag:s0] =	ssyncset.done @!p0 $0x0  }
0xba: {  	[sflag:s0] =	ssyncadd.s32 @!p0 s1  }
0xbb: {  	[bflag:$0x3] =	sbarrier.arrive $0xFFFF  }
0xbc: {  	_ =	shalt  }

</sc_bundles>
